<compile_context>
chip_gen: v7x
topology: tpu7x:2x2x1
jax: 0.10.2.dev20260603
libtpu: 0.0.44.dev20260713+nightly
codegen_flags: <defaults>
</compile_context>

<pallas_src>
import numpy as np
import jax
import jax.numpy as jnp
from jax import lax
from jax.experimental import pallas as pl

_K = 64


def _knn_mask_kernel(pct_ref, tgt_ref, pnorm_ref, pcflat_ref, rexp_ref,
                     out_ref):
    pct = pct_ref[...]
    tgt = tgt_ref[...]
    dots = lax.dot_general(
        tgt, pct,
        dimension_numbers=(((2,), (1,)), ((0,), (0,))),
        preferred_element_type=jnp.float32,
    )
    np_ = pnorm_ref[...][:, None, :]
    nq = jnp.sum(tgt * tgt, axis=2, keepdims=True)
    d = (nq + np_) - 2.0 * dots
    d = jnp.maximum(d, 0.0)
    keys = lax.bitcast_convert_type(d, jnp.int32)

    g, q, _ = keys.shape

    prefix = jnp.zeros((g, q, 1), jnp.int32)
    for i in range(31):
        cand = prefix | jnp.int32(1 << (30 - i))
        cnt = jnp.sum(jnp.where(keys < cand, 1.0, 0.0), axis=2,
                      keepdims=True)
        prefix = jnp.where(cnt >= float(_K), prefix, cand)

    prefix_b = jnp.broadcast_to(prefix, keys.shape)
    mask = keys <= prefix_b
    mask_bf = jnp.where(mask, 1.0, 0.0).astype(jnp.bfloat16)
    rep = lax.dot_general(
        mask_bf, rexp_ref[...],
        dimension_numbers=(((2,), (0,)), ((), ())),
        preferred_element_type=jnp.float32,
    )
    out_ref[...] = rep * pcflat_ref[...][:, None, :]


@jax.jit
def kernel(pointcloud, target):
    pc = pointcloud[..., :3]
    b, n, _ = pc.shape
    q = target.shape[1]
    g = 32
    pct = jnp.transpose(pc, (0, 2, 1))
    pnorm = jnp.sum(pc * pc, axis=2)
    pcflat = pc.reshape(b, n * 3)
    rexp = jnp.asarray(np.repeat(np.eye(n, dtype=np.float32), 3, axis=1),
                       dtype=jnp.bfloat16)

    out = pl.pallas_call(
        _knn_mask_kernel,
        grid=(b // g,),
        in_specs=[
            pl.BlockSpec((g, 3, n), lambda i: (i, 0, 0)),
            pl.BlockSpec((g, q, 3), lambda i: (i, 0, 0)),
            pl.BlockSpec((g, n), lambda i: (i, 0)),
            pl.BlockSpec((g, n * 3), lambda i: (i, 0)),
            pl.BlockSpec((n, n * 3), lambda i: (0, 0)),
        ],
        out_specs=pl.BlockSpec((g, q, n * 3), lambda i: (i, 0, 0)),
        out_shape=jax.ShapeDtypeStruct((b, q, n * 3), jnp.float32),
    )(pct, target, pnorm, pcflat, rexp)
    return out.reshape(b, q, n, 3)

# --- scband reference (transcript-rebuilt; emitter-appended) ---
"""Pipeline reference for scband-get-offsetmap-12317966205150 (READ-ONLY COPY).

The authoritative reference and input builder live on the scoring server;
editing this copy changes nothing except your own understanding.
"""

import jax, jax.numpy as jnp
import numpy as np


def setup_inputs(seed: int = 0) -> dict:
    key = jax.random.key(seed)
    k1, k2 = jax.random.split(key)
    pointcloud = jax.random.normal(k1, (512, 1024, 3), dtype=jnp.float32)
    target = jax.random.normal(k2, (512, 21, 3), dtype=jnp.float32)
    return {"pointcloud": pointcloud, "target": target}


def reference(pointcloud, target):
    # pointcloud: [B, 1024, C>=3], target: [B, 21, 3]
    pc = pointcloud[..., :3]
    B = pc.shape[0]
    N = pc.shape[1]
    Q = target.shape[1]
    k = 64
    # torch_knn(target, pc, 64)
    norms_xq = jnp.sum(target ** 2, axis=2)            # [B, Q]
    norms_xb = jnp.sum(pc ** 2, axis=2)                # [B, N]
    temp = jnp.transpose(norms_xq.reshape(B, -1, 1), (1, 0, 2)) + norms_xb  # [Q, B, N]
    distances = jnp.transpose(temp, (1, 0, 2)) - 2.0 * jnp.einsum('bqd,bnd->bqn', target, pc)  # [B, Q, N]
    negD, I = jax.lax.top_k(-distances, k)             # smallest k -> topk of negated
    D = -negD
    # gather neighbor coordinates (computed in torch forward, unused in output)
    pc_exp = jnp.broadcast_to(pc[:, None, :, :], (B, Q, N, 3))
    idx = jnp.broadcast_to(I[..., None], (B, Q, k, 3))
    subPointcloud = jnp.take_along_axis(pc_exp, idx, axis=2)  # [B, Q, k, 3]
    # scatter ones at knn indices along point dim (same index for all 3 coords)
    bi = jnp.arange(B)[:, None, None]
    ti = jnp.arange(Q)[None, :, None]
    mask = jnp.zeros_like(pc_exp).at[bi, ti, I].set(1.0)  # [B, Q, N, 3]
    mask_label = mask * pc_exp
    return mask_label

if __name__ == "__main__":
    import jax
    _d = setup_inputs()
    print(jax.jit(kernel)(*tuple(_d.values())))

</pallas_src>

<mosaic_0001>
module attributes {stable_mosaic.version = 14 : i64} {
  func.func @_knn_mask_kernel(%arg0: i32, %arg1: memref<32x3x1024xf32, #tpu.memory_space<vmem>>, %arg2: memref<32x21x3xf32, #tpu.memory_space<vmem>>, %arg3: memref<32x1024xf32, #tpu.memory_space<vmem>>, %arg4: memref<32x3072xf32, #tpu.memory_space<vmem>>, %arg5: memref<1024x3072xbf16, #tpu.memory_space<vmem>>, %arg6: memref<32x21x3072xf32, #tpu.memory_space<vmem>>) attributes {dimension_semantics = [#tpu.dimension_semantics<arbitrary>], iteration_bounds = array<i64: 16>, scalar_prefetch = 0 : i64, scratch_operands = 0 : i64, tpu.core_type = #tpu.core_type<tc>, window_params = [{transform_indices = @transform_0, window_bounds = array<i64: 32, 3, 1024>}, {transform_indices = @transform_1, window_bounds = array<i64: 32, 21, 3>}, {transform_indices = @transform_2, window_bounds = array<i64: 32, 1024>}, {transform_indices = @transform_3, window_bounds = array<i64: 32, 3072>}, {pipeline_mode = #tpu.pipeline_mode<synchronous>, transform_indices = @transform_4, window_bounds = array<i64: 1024, 3072>}, {transform_indices = @transform_5, window_bounds = array<i64: 32, 21, 3072>}]} {
    %get3A = arith.constant 0 : index
    %get3A_0 = arith.constant 0 : index
    %get3A_1 = arith.constant 0 : index
    %get3A_2 = vector.load %arg1[%get3A, %get3A_0, %get3A_1] : memref<32x3x1024xf32, #tpu.memory_space<vmem>>, vector<32x3x1024xf32>
    %get3A_3 = arith.constant 0 : index
    %get3A_4 = arith.constant 0 : index
    %get3A_5 = arith.constant 0 : index
    %get3A_6 = vector.load %arg2[%get3A_3, %get3A_4, %get3A_5] : memref<32x21x3xf32, #tpu.memory_space<vmem>>, vector<32x21x3xf32>
    %dot_general3A = arith.constant dense<0.000000e+00> : vector<32x21x1024xf32>
    %dot_general3A_7 = tpu.matmul %get3A_6, %get3A_2, %dot_general3A {dimension_numbers = #tpu.dot_dimension_numbers<[2], [1], [1], [2], [0, 0, 0, 1, 1, 2], [0], [0]>, transpose_lhs_hint = false} : vector<32x21x3xf32>, vector<32x3x1024xf32>, vector<32x21x1024xf32> -> vector<32x21x1024xf32>
    %get3A_8 = arith.constant 0 : index
    %get3A_9 = arith.constant 0 : index
    %get3A_10 = vector.load %arg3[%get3A_8, %get3A_9] : memref<32x1024xf32, #tpu.memory_space<vmem>>, vector<32x1024xf32>
    %broadcast_in_dim3A = vector.shape_cast %get3A_10 : vector<32x1024xf32> to vector<32x1x1024xf32>
    %mul3A = arith.mulf %get3A_6, %get3A_6 : vector<32x21x3xf32>
    %reduce_sum3A = arith.constant dense<0.000000e+00> : vector<32x21xf32>
    %reduce_sum3A_11 = vector.multi_reduction <add>, %mul3A, %reduce_sum3A [2] : vector<32x21x3xf32> to vector<32x21xf32>
    %broadcast_in_dim3A_12 = vector.shape_cast %reduce_sum3A_11 : vector<32x21xf32> to vector<32x21x1xf32>
    %add3A = vector.broadcast %broadcast_in_dim3A_12 : vector<32x21x1xf32> to vector<32x21x1024xf32>
    %add3A_13 = vector.broadcast %broadcast_in_dim3A : vector<32x1x1024xf32> to vector<32x21x1024xf32>
    %add3A_14 = arith.addf %add3A, %add3A_13 : vector<32x21x1024xf32>
    %mul3A_15 = arith.constant 2.000000e+00 : f32
    %mul3A_16 = vector.broadcast %mul3A_15 : f32 to vector<32x21x1024xf32>
    %mul3A_17 = arith.mulf %mul3A_16, %dot_general3A_7 : vector<32x21x1024xf32>
    %sub3A = arith.subf %add3A_14, %mul3A_17 : vector<32x21x1024xf32>
    %max3A = arith.constant 0.000000e+00 : f32
    %max3A_18 = vector.broadcast %max3A : f32 to vector<32x21x1024xf32>
    %max3A_19 = arith.maximumf %sub3A, %max3A_18 : vector<32x21x1024xf32>
    %bitcast_convert_type3A = tpu.bitcast %max3A_19 : vector<32x21x1024xf32> -> vector<32x21x1024xi32>
    %broadcast_in_dim3A_20 = arith.constant 0 : i32
    %broadcast_in_dim3A_21 = vector.broadcast %broadcast_in_dim3A_20 : i32 to vector<32x21x1xi32>
    %or3A = arith.constant 1073741824 : i32
    %or3A_22 = vector.broadcast %or3A : i32 to vector<32x21x1xi32>
    %or3A_23 = arith.ori %broadcast_in_dim3A_21, %or3A_22 : vector<32x21x1xi32>
    %lt3A = vector.broadcast %or3A_23 : vector<32x21x1xi32> to vector<32x21x1024xi32>
    %lt3A_24 = arith.cmpi slt, %bitcast_convert_type3A, %lt3A : vector<32x21x1024xi32>
    %jit3A = arith.constant 1.000000e+00 : f32
    %jit3A_25 = arith.constant 0.000000e+00 : f32
    %broadcast_in_dim3A_26 = vector.broadcast %jit3A : f32 to vector<32x21x1024xf32>
    %broadcast_in_dim3A_27 = vector.broadcast %jit3A_25 : f32 to vector<32x21x1024xf32>
    %select_n3A = arith.select %lt3A_24, %broadcast_in_dim3A_26, %broadcast_in_dim3A_27 : vector<32x21x1024xi1>, vector<32x21x1024xf32>
    %reduce_sum3A_28 = arith.constant dense<0.000000e+00> : vector<32x21xf32>
    %reduce_sum3A_29 = vector.multi_reduction <add>, %select_n3A, %reduce_sum3A_28 [2] : vector<32x21x1024xf32> to vector<32x21xf32>
    %broadcast_in_dim3A_30 = vector.shape_cast %reduce_sum3A_29 : vector<32x21xf32> to vector<32x21x1xf32>
    %ge3A = arith.constant 6.400000e+01 : f32
    %ge3A_31 = vector.broadcast %ge3A : f32 to vector<32x21x1xf32>
    %ge3A_32 = arith.cmpf oge, %broadcast_in_dim3A_30, %ge3A_31 : vector<32x21x1xf32>
    %select_n3A_33 = arith.select %ge3A_32, %broadcast_in_dim3A_21, %or3A_23 : vector<32x21x1xi1>, vector<32x21x1xi32>
    %or3A_34 = arith.constant 536870912 : i32
    %or3A_35 = vector.broadcast %or3A_34 : i32 to vector<32x21x1xi32>
    %or3A_36 = arith.ori %select_n3A_33, %or3A_35 : vector<32x21x1xi32>
    %lt3A_37 = vector.broadcast %or3A_36 : vector<32x21x1xi32> to vector<32x21x1024xi32>
    %lt3A_38 = arith.cmpi slt, %bitcast_convert_type3A, %lt3A_37 : vector<32x21x1024xi32>
    %jit3A_39 = arith.constant 1.000000e+00 : f32
    %jit3A_40 = arith.constant 0.000000e+00 : f32
    %broadcast_in_dim3A_41 = vector.broadcast %jit3A_39 : f32 to vector<32x21x1024xf32>
    %broadcast_in_dim3A_42 = vector.broadcast %jit3A_40 : f32 to vector<32x21x1024xf32>
    %select_n3A_43 = arith.select %lt3A_38, %broadcast_in_dim3A_41, %broadcast_in_dim3A_42 : vector<32x21x1024xi1>, vector<32x21x1024xf32>
    %reduce_sum3A_44 = arith.constant dense<0.000000e+00> : vector<32x21xf32>
    %reduce_sum3A_45 = vector.multi_reduction <add>, %select_n3A_43, %reduce_sum3A_44 [2] : vector<32x21x1024xf32> to vector<32x21xf32>
    %broadcast_in_dim3A_46 = vector.shape_cast %reduce_sum3A_45 : vector<32x21xf32> to vector<32x21x1xf32>
    %ge3A_47 = arith.constant 6.400000e+01 : f32
    %ge3A_48 = vector.broadcast %ge3A_47 : f32 to vector<32x21x1xf32>
    %ge3A_49 = arith.cmpf oge, %broadcast_in_dim3A_46, %ge3A_48 : vector<32x21x1xf32>
    %select_n3A_50 = arith.select %ge3A_49, %select_n3A_33, %or3A_36 : vector<32x21x1xi1>, vector<32x21x1xi32>
    %or3A_51 = arith.constant 268435456 : i32
    %or3A_52 = vector.broadcast %or3A_51 : i32 to vector<32x21x1xi32>
    %or3A_53 = arith.ori %select_n3A_50, %or3A_52 : vector<32x21x1xi32>
    %lt3A_54 = vector.broadcast %or3A_53 : vector<32x21x1xi32> to vector<32x21x1024xi32>
    %lt3A_55 = arith.cmpi slt, %bitcast_convert_type3A, %lt3A_54 : vector<32x21x1024xi32>
    %jit3A_56 = arith.constant 1.000000e+00 : f32
    %jit3A_57 = arith.constant 0.000000e+00 : f32
    %broadcast_in_dim3A_58 = vector.broadcast %jit3A_56 : f32 to vector<32x21x1024xf32>
    %broadcast_in_dim3A_59 = vector.broadcast %jit3A_57 : f32 to vector<32x21x1024xf32>
    %select_n3A_60 = arith.select %lt3A_55, %broadcast_in_dim3A_58, %broadcast_in_dim3A_59 : vector<32x21x1024xi1>, vector<32x21x1024xf32>
    %reduce_sum3A_61 = arith.constant dense<0.000000e+00> : vector<32x21xf32>
    %reduce_sum3A_62 = vector.multi_reduction <add>, %select_n3A_60, %reduce_sum3A_61 [2] : vector<32x21x1024xf32> to vector<32x21xf32>
    %broadcast_in_dim3A_63 = vector.shape_cast %reduce_sum3A_62 : vector<32x21xf32> to vector<32x21x1xf32>
    %ge3A_64 = arith.constant 6.400000e+01 : f32
    %ge3A_65 = vector.broadcast %ge3A_64 : f32 to vector<32x21x1xf32>
    %ge3A_66 = arith.cmpf oge, %broadcast_in_dim3A_63, %ge3A_65 : vector<32x21x1xf32>
    %select_n3A_67 = arith.select %ge3A_66, %select_n3A_50, %or3A_53 : vector<32x21x1xi1>, vector<32x21x1xi32>
    %or3A_68 = arith.constant 134217728 : i32
    %or3A_69 = vector.broadcast %or3A_68 : i32 to vector<32x21x1xi32>
    %or3A_70 = arith.ori %select_n3A_67, %or3A_69 : vector<32x21x1xi32>
    %lt3A_71 = vector.broadcast %or3A_70 : vector<32x21x1xi32> to vector<32x21x1024xi32>
    %lt3A_72 = arith.cmpi slt, %bitcast_convert_type3A, %lt3A_71 : vector<32x21x1024xi32>
    %jit3A_73 = arith.constant 1.000000e+00 : f32
    %jit3A_74 = arith.constant 0.000000e+00 : f32
    %broadcast_in_dim3A_75 = vector.broadcast %jit3A_73 : f32 to vector<32x21x1024xf32>
    %broadcast_in_dim3A_76 = vector.broadcast %jit3A_74 : f32 to vector<32x21x1024xf32>
    %select_n3A_77 = arith.select %lt3A_72, %broadcast_in_dim3A_75, %broadcast_in_dim3A_76 : vector<32x21x1024xi1>, vector<32x21x1024xf32>
    %reduce_sum3A_78 = arith.constant dense<0.000000e+00> : vector<32x21xf32>
    %reduce_sum3A_79 = vector.multi_reduction <add>, %select_n3A_77, %reduce_sum3A_78 [2] : vector<32x21x1024xf32> to vector<32x21xf32>
    %broadcast_in_dim3A_80 = vector.shape_cast %reduce_sum3A_79 : vector<32x21xf32> to vector<32x21x1xf32>
    %ge3A_81 = arith.constant 6.400000e+01 : f32
    %ge3A_82 = vector.broadcast %ge3A_81 : f32 to vector<32x21x1xf32>
    %ge3A_83 = arith.cmpf oge, %broadcast_in_dim3A_80, %ge3A_82 : vector<32x21x1xf32>
    %select_n3A_84 = arith.select %ge3A_83, %select_n3A_67, %or3A_70 : vector<32x21x1xi1>, vector<32x21x1xi32>
    %or3A_85 = arith.constant 67108864 : i32
    %or3A_86 = vector.broadcast %or3A_85 : i32 to vector<32x21x1xi32>
    %or3A_87 = arith.ori %select_n3A_84, %or3A_86 : vector<32x21x1xi32>
    %lt3A_88 = vector.broadcast %or3A_87 : vector<32x21x1xi32> to vector<32x21x1024xi32>
    %lt3A_89 = arith.cmpi slt, %bitcast_convert_type3A, %lt3A_88 : vector<32x21x1024xi32>
    %jit3A_90 = arith.constant 1.000000e+00 : f32
    %jit3A_91 = arith.constant 0.000000e+00 : f32
    %broadcast_in_dim3A_92 = vector.broadcast %jit3A_90 : f32 to vector<32x21x1024xf32>
    %broadcast_in_dim3A_93 = vector.broadcast %jit3A_91 : f32 to vector<32x21x1024xf32>
    %select_n3A_94 = arith.select %lt3A_89, %broadcast_in_dim3A_92, %broadcast_in_dim3A_93 : vector<32x21x1024xi1>, vector<32x21x1024xf32>
    %reduce_sum3A_95 = arith.constant dense<0.000000e+00> : vector<32x21xf32>
    %reduce_sum3A_96 = vector.multi_reduction <add>, %select_n3A_94, %reduce_sum3A_95 [2] : vector<32x21x1024xf32> to vector<32x21xf32>
    %broadcast_in_dim3A_97 = vector.shape_cast %reduce_sum3A_96 : vector<32x21xf32> to vector<32x21x1xf32>
    %ge3A_98 = arith.constant 6.400000e+01 : f32
    %ge3A_99 = vector.broadcast %ge3A_98 : f32 to vector<32x21x1xf32>
    %ge3A_100 = arith.cmpf oge, %broadcast_in_dim3A_97, %ge3A_99 : vector<32x21x1xf32>
    %select_n3A_101 = arith.select %ge3A_100, %select_n3A_84, %or3A_87 : vector<32x21x1xi1>, vector<32x21x1xi32>
    %or3A_102 = arith.constant 33554432 : i32
    %or3A_103 = vector.broadcast %or3A_102 : i32 to vector<32x21x1xi32>
    %or3A_104 = arith.ori %select_n3A_101, %or3A_103 : vector<32x21x1xi32>
    %lt3A_105 = vector.broadcast %or3A_104 : vector<32x21x1xi32> to vector<32x21x1024xi32>
    %lt3A_106 = arith.cmpi slt, %bitcast_convert_type3A, %lt3A_105 : vector<32x21x1024xi32>
    %jit3A_107 = arith.constant 1.000000e+00 : f32
    %jit3A_108 = arith.constant 0.000000e+00 : f32
    %broadcast_in_dim3A_109 = vector.broadcast %jit3A_107 : f32 to vector<32x21x1024xf32>
    %broadcast_in_dim3A_110 = vector.broadcast %jit3A_108 : f32 to vector<32x21x1024xf32>
    %select_n3A_111 = arith.select %lt3A_106, %broadcast_in_dim3A_109, %broadcast_in_dim3A_110 : vector<32x21x1024xi1>, vector<32x21x1024xf32>
    %reduce_sum3A_112 = arith.constant dense<0.000000e+00> : vector<32x21xf32>
    %reduce_sum3A_113 = vector.multi_reduction <add>, %select_n3A_111, %reduce_sum3A_112 [2] : vector<32x21x1024xf32> to vector<32x21xf32>
    %broadcast_in_dim3A_114 = vector.shape_cast %reduce_sum3A_113 : vector<32x21xf32> to vector<32x21x1xf32>
    %ge3A_115 = arith.constant 6.400000e+01 : f32
    %ge3A_116 = vector.broadcast %ge3A_115 : f32 to vector<32x21x1xf32>
    %ge3A_117 = arith.cmpf oge, %broadcast_in_dim3A_114, %ge3A_116 : vector<32x21x1xf32>
    %select_n3A_118 = arith.select %ge3A_117, %select_n3A_101, %or3A_104 : vector<32x21x1xi1>, vector<32x21x1xi32>
    %or3A_119 = arith.constant 16777216 : i32
    %or3A_120 = vector.broadcast %or3A_119 : i32 to vector<32x21x1xi32>
    %or3A_121 = arith.ori %select_n3A_118, %or3A_120 : vector<32x21x1xi32>
    %lt3A_122 = vector.broadcast %or3A_121 : vector<32x21x1xi32> to vector<32x21x1024xi32>
    %lt3A_123 = arith.cmpi slt, %bitcast_convert_type3A, %lt3A_122 : vector<32x21x1024xi32>
    %jit3A_124 = arith.constant 1.000000e+00 : f32
    %jit3A_125 = arith.constant 0.000000e+00 : f32
    %broadcast_in_dim3A_126 = vector.broadcast %jit3A_124 : f32 to vector<32x21x1024xf32>
    %broadcast_in_dim3A_127 = vector.broadcast %jit3A_125 : f32 to vector<32x21x1024xf32>
    %select_n3A_128 = arith.select %lt3A_123, %broadcast_in_dim3A_126, %broadcast_in_dim3A_127 : vector<32x21x1024xi1>, vector<32x21x1024xf32>
    %reduce_sum3A_129 = arith.constant dense<0.000000e+00> : vector<32x21xf32>
    %reduce_sum3A_130 = vector.multi_reduction <add>, %select_n3A_128, %reduce_sum3A_129 [2] : vector<32x21x1024xf32> to vector<32x21xf32>
    %broadcast_in_dim3A_131 = vector.shape_cast %reduce_sum3A_130 : vector<32x21xf32> to vector<32x21x1xf32>
    %ge3A_132 = arith.constant 6.400000e+01 : f32
    %ge3A_133 = vector.broadcast %ge3A_132 : f32 to vector<32x21x1xf32>
    %ge3A_134 = arith.cmpf oge, %broadcast_in_dim3A_131, %ge3A_133 : vector<32x21x1xf32>
    %select_n3A_135 = arith.select %ge3A_134, %select_n3A_118, %or3A_121 : vector<32x21x1xi1>, vector<32x21x1xi32>
    %or3A_136 = arith.constant 8388608 : i32
    %or3A_137 = vector.broadcast %or3A_136 : i32 to vector<32x21x1xi32>
    %or3A_138 = arith.ori %select_n3A_135, %or3A_137 : vector<32x21x1xi32>
    %lt3A_139 = vector.broadcast %or3A_138 : vector<32x21x1xi32> to vector<32x21x1024xi32>
    %lt3A_140 = arith.cmpi slt, %bitcast_convert_type3A, %lt3A_139 : vector<32x21x1024xi32>
    %jit3A_141 = arith.constant 1.000000e+00 : f32
    %jit3A_142 = arith.constant 0.000000e+00 : f32
    %broadcast_in_dim3A_143 = vector.broadcast %jit3A_141 : f32 to vector<32x21x1024xf32>
    %broadcast_in_dim3A_144 = vector.broadcast %jit3A_142 : f32 to vector<32x21x1024xf32>
    %select_n3A_145 = arith.select %lt3A_140, %broadcast_in_dim3A_143, %broadcast_in_dim3A_144 : vector<32x21x1024xi1>, vector<32x21x1024xf32>
    %reduce_sum3A_146 = arith.constant dense<0.000000e+00> : vector<32x21xf32>
    %reduce_sum3A_147 = vector.multi_reduction <add>, %select_n3A_145, %reduce_sum3A_146 [2] : vector<32x21x1024xf32> to vector<32x21xf32>
    %broadcast_in_dim3A_148 = vector.shape_cast %reduce_sum3A_147 : vector<32x21xf32> to vector<32x21x1xf32>
    %ge3A_149 = arith.constant 6.400000e+01 : f32
    %ge3A_150 = vector.broadcast %ge3A_149 : f32 to vector<32x21x1xf32>
    %ge3A_151 = arith.cmpf oge, %broadcast_in_dim3A_148, %ge3A_150 : vector<32x21x1xf32>
    %select_n3A_152 = arith.select %ge3A_151, %select_n3A_135, %or3A_138 : vector<32x21x1xi1>, vector<32x21x1xi32>
    %or3A_153 = arith.constant 4194304 : i32
    %or3A_154 = vector.broadcast %or3A_153 : i32 to vector<32x21x1xi32>
    %or3A_155 = arith.ori %select_n3A_152, %or3A_154 : vector<32x21x1xi32>
    %lt3A_156 = vector.broadcast %or3A_155 : vector<32x21x1xi32> to vector<32x21x1024xi32>
    %lt3A_157 = arith.cmpi slt, %bitcast_convert_type3A, %lt3A_156 : vector<32x21x1024xi32>
    %jit3A_158 = arith.constant 1.000000e+00 : f32
    %jit3A_159 = arith.constant 0.000000e+00 : f32
    %broadcast_in_dim3A_160 = vector.broadcast %jit3A_158 : f32 to vector<32x21x1024xf32>
    %broadcast_in_dim3A_161 = vector.broadcast %jit3A_159 : f32 to vector<32x21x1024xf32>
    %select_n3A_162 = arith.select %lt3A_157, %broadcast_in_dim3A_160, %broadcast_in_dim3A_161 : vector<32x21x1024xi1>, vector<32x21x1024xf32>
    %reduce_sum3A_163 = arith.constant dense<0.000000e+00> : vector<32x21xf32>
    %reduce_sum3A_164 = vector.multi_reduction <add>, %select_n3A_162, %reduce_sum3A_163 [2] : vector<32x21x1024xf32> to vector<32x21xf32>
    %broadcast_in_dim3A_165 = vector.shape_cast %reduce_sum3A_164 : vector<32x21xf32> to vector<32x21x1xf32>
    %ge3A_166 = arith.constant 6.400000e+01 : f32
    %ge3A_167 = vector.broadcast %ge3A_166 : f32 to vector<32x21x1xf32>
    %ge3A_168 = arith.cmpf oge, %broadcast_in_dim3A_165, %ge3A_167 : vector<32x21x1xf32>
    %select_n3A_169 = arith.select %ge3A_168, %select_n3A_152, %or3A_155 : vector<32x21x1xi1>, vector<32x21x1xi32>
    %or3A_170 = arith.constant 2097152 : i32
    %or3A_171 = vector.broadcast %or3A_170 : i32 to vector<32x21x1xi32>
    %or3A_172 = arith.ori %select_n3A_169, %or3A_171 : vector<32x21x1xi32>
    %lt3A_173 = vector.broadcast %or3A_172 : vector<32x21x1xi32> to vector<32x21x1024xi32>
    %lt3A_174 = arith.cmpi slt, %bitcast_convert_type3A, %lt3A_173 : vector<32x21x1024xi32>
    %jit3A_175 = arith.constant 1.000000e+00 : f32
    %jit3A_176 = arith.constant 0.000000e+00 : f32
    %broadcast_in_dim3A_177 = vector.broadcast %jit3A_175 : f32 to vector<32x21x1024xf32>
    %broadcast_in_dim3A_178 = vector.broadcast %jit3A_176 : f32 to vector<32x21x1024xf32>
    %select_n3A_179 = arith.select %lt3A_174, %broadcast_in_dim3A_177, %broadcast_in_dim3A_178 : vector<32x21x1024xi1>, vector<32x21x1024xf32>
    %reduce_sum3A_180 = arith.constant dense<0.000000e+00> : vector<32x21xf32>
    %reduce_sum3A_181 = vector.multi_reduction <add>, %select_n3A_179, %reduce_sum3A_180 [2] : vector<32x21x1024xf32> to vector<32x21xf32>
    %broadcast_in_dim3A_182 = vector.shape_cast %reduce_sum3A_181 : vector<32x21xf32> to vector<32x21x1xf32>
    %ge3A_183 = arith.constant 6.400000e+01 : f32
    %ge3A_184 = vector.broadcast %ge3A_183 : f32 to vector<32x21x1xf32>
    %ge3A_185 = arith.cmpf oge, %broadcast_in_dim3A_182, %ge3A_184 : vector<32x21x1xf32>
    %select_n3A_186 = arith.select %ge3A_185, %select_n3A_169, %or3A_172 : vector<32x21x1xi1>, vector<32x21x1xi32>
    %or3A_187 = arith.constant 1048576 : i32
    %or3A_188 = vector.broadcast %or3A_187 : i32 to vector<32x21x1xi32>
    %or3A_189 = arith.ori %select_n3A_186, %or3A_188 : vector<32x21x1xi32>
    %lt3A_190 = vector.broadcast %or3A_189 : vector<32x21x1xi32> to vector<32x21x1024xi32>
    %lt3A_191 = arith.cmpi slt, %bitcast_convert_type3A, %lt3A_190 : vector<32x21x1024xi32>
    %jit3A_192 = arith.constant 1.000000e+00 : f32
    %jit3A_193 = arith.constant 0.000000e+00 : f32
    %broadcast_in_dim3A_194 = vector.broadcast %jit3A_192 : f32 to vector<32x21x1024xf32>
    %broadcast_in_dim3A_195 = vector.broadcast %jit3A_193 : f32 to vector<32x21x1024xf32>
    %select_n3A_196 = arith.select %lt3A_191, %broadcast_in_dim3A_194, %broadcast_in_dim3A_195 : vector<32x21x1024xi1>, vector<32x21x1024xf32>
    %reduce_sum3A_197 = arith.constant dense<0.000000e+00> : vector<32x21xf32>
    %reduce_sum3A_198 = vector.multi_reduction <add>, %select_n3A_196, %reduce_sum3A_197 [2] : vector<32x21x1024xf32> to vector<32x21xf32>
    %broadcast_in_dim3A_199 = vector.shape_cast %reduce_sum3A_198 : vector<32x21xf32> to vector<32x21x1xf32>
    %ge3A_200 = arith.constant 6.400000e+01 : f32
    %ge3A_201 = vector.broadcast %ge3A_200 : f32 to vector<32x21x1xf32>
    %ge3A_202 = arith.cmpf oge, %broadcast_in_dim3A_199, %ge3A_201 : vector<32x21x1xf32>
    %select_n3A_203 = arith.select %ge3A_202, %select_n3A_186, %or3A_189 : vector<32x21x1xi1>, vector<32x21x1xi32>
    %or3A_204 = arith.constant 524288 : i32
    %or3A_205 = vector.broadcast %or3A_204 : i32 to vector<32x21x1xi32>
    %or3A_206 = arith.ori %select_n3A_203, %or3A_205 : vector<32x21x1xi32>
    %lt3A_207 = vector.broadcast %or3A_206 : vector<32x21x1xi32> to vector<32x21x1024xi32>
    %lt3A_208 = arith.cmpi slt, %bitcast_convert_type3A, %lt3A_207 : vector<32x21x1024xi32>
    %jit3A_209 = arith.constant 1.000000e+00 : f32
    %jit3A_210 = arith.constant 0.000000e+00 : f32
    %broadcast_in_dim3A_211 = vector.broadcast %jit3A_209 : f32 to vector<32x21x1024xf32>
    %broadcast_in_dim3A_212 = vector.broadcast %jit3A_210 : f32 to vector<32x21x1024xf32>
    %select_n3A_213 = arith.select %lt3A_208, %broadcast_in_dim3A_211, %broadcast_in_dim3A_212 : vector<32x21x1024xi1>, vector<32x21x1024xf32>
    %reduce_sum3A_214 = arith.constant dense<0.000000e+00> : vector<32x21xf32>
    %reduce_sum3A_215 = vector.multi_reduction <add>, %select_n3A_213, %reduce_sum3A_214 [2] : vector<32x21x1024xf32> to vector<32x21xf32>
    %broadcast_in_dim3A_216 = vector.shape_cast %reduce_sum3A_215 : vector<32x21xf32> to vector<32x21x1xf32>
    %ge3A_217 = arith.constant 6.400000e+01 : f32
    %ge3A_218 = vector.broadcast %ge3A_217 : f32 to vector<32x21x1xf32>
    %ge3A_219 = arith.cmpf oge, %broadcast_in_dim3A_216, %ge3A_218 : vector<32x21x1xf32>
    %select_n3A_220 = arith.select %ge3A_219, %select_n3A_203, %or3A_206 : vector<32x21x1xi1>, vector<32x21x1xi32>
    %or3A_221 = arith.constant 262144 : i32
    %or3A_222 = vector.broadcast %or3A_221 : i32 to vector<32x21x1xi32>
    %or3A_223 = arith.ori %select_n3A_220, %or3A_222 : vector<32x21x1xi32>
    %lt3A_224 = vector.broadcast %or3A_223 : vector<32x21x1xi32> to vector<32x21x1024xi32>
    %lt3A_225 = arith.cmpi slt, %bitcast_convert_type3A, %lt3A_224 : vector<32x21x1024xi32>
    %jit3A_226 = arith.constant 1.000000e+00 : f32
    %jit3A_227 = arith.constant 0.000000e+00 : f32
    %broadcast_in_dim3A_228 = vector.broadcast %jit3A_226 : f32 to vector<32x21x1024xf32>
    %broadcast_in_dim3A_229 = vector.broadcast %jit3A_227 : f32 to vector<32x21x1024xf32>
    %select_n3A_230 = arith.select %lt3A_225, %broadcast_in_dim3A_228, %broadcast_in_dim3A_229 : vector<32x21x1024xi1>, vector<32x21x1024xf32>
    %reduce_sum3A_231 = arith.constant dense<0.000000e+00> : vector<32x21xf32>
    %reduce_sum3A_232 = vector.multi_reduction <add>, %select_n3A_230, %reduce_sum3A_231 [2] : vector<32x21x1024xf32> to vector<32x21xf32>
    %broadcast_in_dim3A_233 = vector.shape_cast %reduce_sum3A_232 : vector<32x21xf32> to vector<32x21x1xf32>
    %ge3A_234 = arith.constant 6.400000e+01 : f32
    %ge3A_235 = vector.broadcast %ge3A_234 : f32 to vector<32x21x1xf32>
    %ge3A_236 = arith.cmpf oge, %broadcast_in_dim3A_233, %ge3A_235 : vector<32x21x1xf32>
    %select_n3A_237 = arith.select %ge3A_236, %select_n3A_220, %or3A_223 : vector<32x21x1xi1>, vector<32x21x1xi32>
    %or3A_238 = arith.constant 131072 : i32
    %or3A_239 = vector.broadcast %or3A_238 : i32 to vector<32x21x1xi32>
    %or3A_240 = arith.ori %select_n3A_237, %or3A_239 : vector<32x21x1xi32>
    %lt3A_241 = vector.broadcast %or3A_240 : vector<32x21x1xi32> to vector<32x21x1024xi32>
    %lt3A_242 = arith.cmpi slt, %bitcast_convert_type3A, %lt3A_241 : vector<32x21x1024xi32>
    %jit3A_243 = arith.constant 1.000000e+00 : f32
    %jit3A_244 = arith.constant 0.000000e+00 : f32
    %broadcast_in_dim3A_245 = vector.broadcast %jit3A_243 : f32 to vector<32x21x1024xf32>
    %broadcast_in_dim3A_246 = vector.broadcast %jit3A_244 : f32 to vector<32x21x1024xf32>
    %select_n3A_247 = arith.select %lt3A_242, %broadcast_in_dim3A_245, %broadcast_in_dim3A_246 : vector<32x21x1024xi1>, vector<32x21x1024xf32>
    %reduce_sum3A_248 = arith.constant dense<0.000000e+00> : vector<32x21xf32>
    %reduce_sum3A_249 = vector.multi_reduction <add>, %select_n3A_247, %reduce_sum3A_248 [2] : vector<32x21x1024xf32> to vector<32x21xf32>
    %broadcast_in_dim3A_250 = vector.shape_cast %reduce_sum3A_249 : vector<32x21xf32> to vector<32x21x1xf32>
    %ge3A_251 = arith.constant 6.400000e+01 : f32
    %ge3A_252 = vector.broadcast %ge3A_251 : f32 to vector<32x21x1xf32>
    %ge3A_253 = arith.cmpf oge, %broadcast_in_dim3A_250, %ge3A_252 : vector<32x21x1xf32>
    %select_n3A_254 = arith.select %ge3A_253, %select_n3A_237, %or3A_240 : vector<32x21x1xi1>, vector<32x21x1xi32>
    %or3A_255 = arith.constant 65536 : i32
    %or3A_256 = vector.broadcast %or3A_255 : i32 to vector<32x21x1xi32>
    %or3A_257 = arith.ori %select_n3A_254, %or3A_256 : vector<32x21x1xi32>
    %lt3A_258 = vector.broadcast %or3A_257 : vector<32x21x1xi32> to vector<32x21x1024xi32>
    %lt3A_259 = arith.cmpi slt, %bitcast_convert_type3A, %lt3A_258 : vector<32x21x1024xi32>
    %jit3A_260 = arith.constant 1.000000e+00 : f32
    %jit3A_261 = arith.constant 0.000000e+00 : f32
    %broadcast_in_dim3A_262 = vector.broadcast %jit3A_260 : f32 to vector<32x21x1024xf32>
    %broadcast_in_dim3A_263 = vector.broadcast %jit3A_261 : f32 to vector<32x21x1024xf32>
    %select_n3A_264 = arith.select %lt3A_259, %broadcast_in_dim3A_262, %broadcast_in_dim3A_263 : vector<32x21x1024xi1>, vector<32x21x1024xf32>
    %reduce_sum3A_265 = arith.constant dense<0.000000e+00> : vector<32x21xf32>
    %reduce_sum3A_266 = vector.multi_reduction <add>, %select_n3A_264, %reduce_sum3A_265 [2] : vector<32x21x1024xf32> to vector<32x21xf32>
    %broadcast_in_dim3A_267 = vector.shape_cast %reduce_sum3A_266 : vector<32x21xf32> to vector<32x21x1xf32>
    %ge3A_268 = arith.constant 6.400000e+01 : f32
    %ge3A_269 = vector.broadcast %ge3A_268 : f32 to vector<32x21x1xf32>
    %ge3A_270 = arith.cmpf oge, %broadcast_in_dim3A_267, %ge3A_269 : vector<32x21x1xf32>
    %select_n3A_271 = arith.select %ge3A_270, %select_n3A_254, %or3A_257 : vector<32x21x1xi1>, vector<32x21x1xi32>
    %or3A_272 = arith.constant 32768 : i32
    %or3A_273 = vector.broadcast %or3A_272 : i32 to vector<32x21x1xi32>
    %or3A_274 = arith.ori %select_n3A_271, %or3A_273 : vector<32x21x1xi32>
    %lt3A_275 = vector.broadcast %or3A_274 : vector<32x21x1xi32> to vector<32x21x1024xi32>
    %lt3A_276 = arith.cmpi slt, %bitcast_convert_type3A, %lt3A_275 : vector<32x21x1024xi32>
    %jit3A_277 = arith.constant 1.000000e+00 : f32
    %jit3A_278 = arith.constant 0.000000e+00 : f32
    %broadcast_in_dim3A_279 = vector.broadcast %jit3A_277 : f32 to vector<32x21x1024xf32>
    %broadcast_in_dim3A_280 = vector.broadcast %jit3A_278 : f32 to vector<32x21x1024xf32>
    %select_n3A_281 = arith.select %lt3A_276, %broadcast_in_dim3A_279, %broadcast_in_dim3A_280 : vector<32x21x1024xi1>, vector<32x21x1024xf32>
    %reduce_sum3A_282 = arith.constant dense<0.000000e+00> : vector<32x21xf32>
    %reduce_sum3A_283 = vector.multi_reduction <add>, %select_n3A_281, %reduce_sum3A_282 [2] : vector<32x21x1024xf32> to vector<32x21xf32>
    %broadcast_in_dim3A_284 = vector.shape_cast %reduce_sum3A_283 : vector<32x21xf32> to vector<32x21x1xf32>
    %ge3A_285 = arith.constant 6.400000e+01 : f32
    %ge3A_286 = vector.broadcast %ge3A_285 : f32 to vector<32x21x1xf32>
    %ge3A_287 = arith.cmpf oge, %broadcast_in_dim3A_284, %ge3A_286 : vector<32x21x1xf32>
    %select_n3A_288 = arith.select %ge3A_287, %select_n3A_271, %or3A_274 : vector<32x21x1xi1>, vector<32x21x1xi32>
    %or3A_289 = arith.constant 16384 : i32
    %or3A_290 = vector.broadcast %or3A_289 : i32 to vector<32x21x1xi32>
    %or3A_291 = arith.ori %select_n3A_288, %or3A_290 : vector<32x21x1xi32>
    %lt3A_292 = vector.broadcast %or3A_291 : vector<32x21x1xi32> to vector<32x21x1024xi32>
    %lt3A_293 = arith.cmpi slt, %bitcast_convert_type3A, %lt3A_292 : vector<32x21x1024xi32>
    %jit3A_294 = arith.constant 1.000000e+00 : f32
    %jit3A_295 = arith.constant 0.000000e+00 : f32
    %broadcast_in_dim3A_296 = vector.broadcast %jit3A_294 : f32 to vector<32x21x1024xf32>
    %broadcast_in_dim3A_297 = vector.broadcast %jit3A_295 : f32 to vector<32x21x1024xf32>
    %select_n3A_298 = arith.select %lt3A_293, %broadcast_in_dim3A_296, %broadcast_in_dim3A_297 : vector<32x21x1024xi1>, vector<32x21x1024xf32>
    %reduce_sum3A_299 = arith.constant dense<0.000000e+00> : vector<32x21xf32>
    %reduce_sum3A_300 = vector.multi_reduction <add>, %select_n3A_298, %reduce_sum3A_299 [2] : vector<32x21x1024xf32> to vector<32x21xf32>
    %broadcast_in_dim3A_301 = vector.shape_cast %reduce_sum3A_300 : vector<32x21xf32> to vector<32x21x1xf32>
    %ge3A_302 = arith.constant 6.400000e+01 : f32
    %ge3A_303 = vector.broadcast %ge3A_302 : f32 to vector<32x21x1xf32>
    %ge3A_304 = arith.cmpf oge, %broadcast_in_dim3A_301, %ge3A_303 : vector<32x21x1xf32>
    %select_n3A_305 = arith.select %ge3A_304, %select_n3A_288, %or3A_291 : vector<32x21x1xi1>, vector<32x21x1xi32>
    %or3A_306 = arith.constant 8192 : i32
    %or3A_307 = vector.broadcast %or3A_306 : i32 to vector<32x21x1xi32>
    %or3A_308 = arith.ori %select_n3A_305, %or3A_307 : vector<32x21x1xi32>
    %lt3A_309 = vector.broadcast %or3A_308 : vector<32x21x1xi32> to vector<32x21x1024xi32>
    %lt3A_310 = arith.cmpi slt, %bitcast_convert_type3A, %lt3A_309 : vector<32x21x1024xi32>
    %jit3A_311 = arith.constant 1.000000e+00 : f32
    %jit3A_312 = arith.constant 0.000000e+00 : f32
    %broadcast_in_dim3A_313 = vector.broadcast %jit3A_311 : f32 to vector<32x21x1024xf32>
    %broadcast_in_dim3A_314 = vector.broadcast %jit3A_312 : f32 to vector<32x21x1024xf32>
    %select_n3A_315 = arith.select %lt3A_310, %broadcast_in_dim3A_313, %broadcast_in_dim3A_314 : vector<32x21x1024xi1>, vector<32x21x1024xf32>
    %reduce_sum3A_316 = arith.constant dense<0.000000e+00> : vector<32x21xf32>
    %reduce_sum3A_317 = vector.multi_reduction <add>, %select_n3A_315, %reduce_sum3A_316 [2] : vector<32x21x1024xf32> to vector<32x21xf32>
    %broadcast_in_dim3A_318 = vector.shape_cast %reduce_sum3A_317 : vector<32x21xf32> to vector<32x21x1xf32>
    %ge3A_319 = arith.constant 6.400000e+01 : f32
    %ge3A_320 = vector.broadcast %ge3A_319 : f32 to vector<32x21x1xf32>
    %ge3A_321 = arith.cmpf oge, %broadcast_in_dim3A_318, %ge3A_320 : vector<32x21x1xf32>
    %select_n3A_322 = arith.select %ge3A_321, %select_n3A_305, %or3A_308 : vector<32x21x1xi1>, vector<32x21x1xi32>
    %or3A_323 = arith.constant 4096 : i32
    %or3A_324 = vector.broadcast %or3A_323 : i32 to vector<32x21x1xi32>
    %or3A_325 = arith.ori %select_n3A_322, %or3A_324 : vector<32x21x1xi32>
    %lt3A_326 = vector.broadcast %or3A_325 : vector<32x21x1xi32> to vector<32x21x1024xi32>
    %lt3A_327 = arith.cmpi slt, %bitcast_convert_type3A, %lt3A_326 : vector<32x21x1024xi32>
    %jit3A_328 = arith.constant 1.000000e+00 : f32
    %jit3A_329 = arith.constant 0.000000e+00 : f32
    %broadcast_in_dim3A_330 = vector.broadcast %jit3A_328 : f32 to vector<32x21x1024xf32>
    %broadcast_in_dim3A_331 = vector.broadcast %jit3A_329 : f32 to vector<32x21x1024xf32>
    %select_n3A_332 = arith.select %lt3A_327, %broadcast_in_dim3A_330, %broadcast_in_dim3A_331 : vector<32x21x1024xi1>, vector<32x21x1024xf32>
    %reduce_sum3A_333 = arith.constant dense<0.000000e+00> : vector<32x21xf32>
    %reduce_sum3A_334 = vector.multi_reduction <add>, %select_n3A_332, %reduce_sum3A_333 [2] : vector<32x21x1024xf32> to vector<32x21xf32>
    %broadcast_in_dim3A_335 = vector.shape_cast %reduce_sum3A_334 : vector<32x21xf32> to vector<32x21x1xf32>
    %ge3A_336 = arith.constant 6.400000e+01 : f32
    %ge3A_337 = vector.broadcast %ge3A_336 : f32 to vector<32x21x1xf32>
    %ge3A_338 = arith.cmpf oge, %broadcast_in_dim3A_335, %ge3A_337 : vector<32x21x1xf32>
    %select_n3A_339 = arith.select %ge3A_338, %select_n3A_322, %or3A_325 : vector<32x21x1xi1>, vector<32x21x1xi32>
    %or3A_340 = arith.constant 2048 : i32
    %or3A_341 = vector.broadcast %or3A_340 : i32 to vector<32x21x1xi32>
    %or3A_342 = arith.ori %select_n3A_339, %or3A_341 : vector<32x21x1xi32>
    %lt3A_343 = vector.broadcast %or3A_342 : vector<32x21x1xi32> to vector<32x21x1024xi32>
    %lt3A_344 = arith.cmpi slt, %bitcast_convert_type3A, %lt3A_343 : vector<32x21x1024xi32>
    %jit3A_345 = arith.constant 1.000000e+00 : f32
    %jit3A_346 = arith.constant 0.000000e+00 : f32
    %broadcast_in_dim3A_347 = vector.broadcast %jit3A_345 : f32 to vector<32x21x1024xf32>
    %broadcast_in_dim3A_348 = vector.broadcast %jit3A_346 : f32 to vector<32x21x1024xf32>
    %select_n3A_349 = arith.select %lt3A_344, %broadcast_in_dim3A_347, %broadcast_in_dim3A_348 : vector<32x21x1024xi1>, vector<32x21x1024xf32>
    %reduce_sum3A_350 = arith.constant dense<0.000000e+00> : vector<32x21xf32>
    %reduce_sum3A_351 = vector.multi_reduction <add>, %select_n3A_349, %reduce_sum3A_350 [2] : vector<32x21x1024xf32> to vector<32x21xf32>
    %broadcast_in_dim3A_352 = vector.shape_cast %reduce_sum3A_351 : vector<32x21xf32> to vector<32x21x1xf32>
    %ge3A_353 = arith.constant 6.400000e+01 : f32
    %ge3A_354 = vector.broadcast %ge3A_353 : f32 to vector<32x21x1xf32>
    %ge3A_355 = arith.cmpf oge, %broadcast_in_dim3A_352, %ge3A_354 : vector<32x21x1xf32>
    %select_n3A_356 = arith.select %ge3A_355, %select_n3A_339, %or3A_342 : vector<32x21x1xi1>, vector<32x21x1xi32>
    %or3A_357 = arith.constant 1024 : i32
    %or3A_358 = vector.broadcast %or3A_357 : i32 to vector<32x21x1xi32>
    %or3A_359 = arith.ori %select_n3A_356, %or3A_358 : vector<32x21x1xi32>
    %lt3A_360 = vector.broadcast %or3A_359 : vector<32x21x1xi32> to vector<32x21x1024xi32>
    %lt3A_361 = arith.cmpi slt, %bitcast_convert_type3A, %lt3A_360 : vector<32x21x1024xi32>
    %jit3A_362 = arith.constant 1.000000e+00 : f32
    %jit3A_363 = arith.constant 0.000000e+00 : f32
    %broadcast_in_dim3A_364 = vector.broadcast %jit3A_362 : f32 to vector<32x21x1024xf32>
    %broadcast_in_dim3A_365 = vector.broadcast %jit3A_363 : f32 to vector<32x21x1024xf32>
    %select_n3A_366 = arith.select %lt3A_361, %broadcast_in_dim3A_364, %broadcast_in_dim3A_365 : vector<32x21x1024xi1>, vector<32x21x1024xf32>
    %reduce_sum3A_367 = arith.constant dense<0.000000e+00> : vector<32x21xf32>
    %reduce_sum3A_368 = vector.multi_reduction <add>, %select_n3A_366, %reduce_sum3A_367 [2] : vector<32x21x1024xf32> to vector<32x21xf32>
    %broadcast_in_dim3A_369 = vector.shape_cast %reduce_sum3A_368 : vector<32x21xf32> to vector<32x21x1xf32>
    %ge3A_370 = arith.constant 6.400000e+01 : f32
    %ge3A_371 = vector.broadcast %ge3A_370 : f32 to vector<32x21x1xf32>
    %ge3A_372 = arith.cmpf oge, %broadcast_in_dim3A_369, %ge3A_371 : vector<32x21x1xf32>
    %select_n3A_373 = arith.select %ge3A_372, %select_n3A_356, %or3A_359 : vector<32x21x1xi1>, vector<32x21x1xi32>
    %or3A_374 = arith.constant 512 : i32
    %or3A_375 = vector.broadcast %or3A_374 : i32 to vector<32x21x1xi32>
    %or3A_376 = arith.ori %select_n3A_373, %or3A_375 : vector<32x21x1xi32>
    %lt3A_377 = vector.broadcast %or3A_376 : vector<32x21x1xi32> to vector<32x21x1024xi32>
    %lt3A_378 = arith.cmpi slt, %bitcast_convert_type3A, %lt3A_377 : vector<32x21x1024xi32>
    %jit3A_379 = arith.constant 1.000000e+00 : f32
    %jit3A_380 = arith.constant 0.000000e+00 : f32
    %broadcast_in_dim3A_381 = vector.broadcast %jit3A_379 : f32 to vector<32x21x1024xf32>
    %broadcast_in_dim3A_382 = vector.broadcast %jit3A_380 : f32 to vector<32x21x1024xf32>
    %select_n3A_383 = arith.select %lt3A_378, %broadcast_in_dim3A_381, %broadcast_in_dim3A_382 : vector<32x21x1024xi1>, vector<32x21x1024xf32>
    %reduce_sum3A_384 = arith.constant dense<0.000000e+00> : vector<32x21xf32>
    %reduce_sum3A_385 = vector.multi_reduction <add>, %select_n3A_383, %reduce_sum3A_384 [2] : vector<32x21x1024xf32> to vector<32x21xf32>
    %broadcast_in_dim3A_386 = vector.shape_cast %reduce_sum3A_385 : vector<32x21xf32> to vector<32x21x1xf32>
    %ge3A_387 = arith.constant 6.400000e+01 : f32
    %ge3A_388 = vector.broadcast %ge3A_387 : f32 to vector<32x21x1xf32>
    %ge3A_389 = arith.cmpf oge, %broadcast_in_dim3A_386, %ge3A_388 : vector<32x21x1xf32>
    %select_n3A_390 = arith.select %ge3A_389, %select_n3A_373, %or3A_376 : vector<32x21x1xi1>, vector<32x21x1xi32>
    %or3A_391 = arith.constant 256 : i32
    %or3A_392 = vector.broadcast %or3A_391 : i32 to vector<32x21x1xi32>
    %or3A_393 = arith.ori %select_n3A_390, %or3A_392 : vector<32x21x1xi32>
    %lt3A_394 = vector.broadcast %or3A_393 : vector<32x21x1xi32> to vector<32x21x1024xi32>
    %lt3A_395 = arith.cmpi slt, %bitcast_convert_type3A, %lt3A_394 : vector<32x21x1024xi32>
    %jit3A_396 = arith.constant 1.000000e+00 : f32
    %jit3A_397 = arith.constant 0.000000e+00 : f32
    %broadcast_in_dim3A_398 = vector.broadcast %jit3A_396 : f32 to vector<32x21x1024xf32>
    %broadcast_in_dim3A_399 = vector.broadcast %jit3A_397 : f32 to vector<32x21x1024xf32>
    %select_n3A_400 = arith.select %lt3A_395, %broadcast_in_dim3A_398, %broadcast_in_dim3A_399 : vector<32x21x1024xi1>, vector<32x21x1024xf32>
    %reduce_sum3A_401 = arith.constant dense<0.000000e+00> : vector<32x21xf32>
    %reduce_sum3A_402 = vector.multi_reduction <add>, %select_n3A_400, %reduce_sum3A_401 [2] : vector<32x21x1024xf32> to vector<32x21xf32>
    %broadcast_in_dim3A_403 = vector.shape_cast %reduce_sum3A_402 : vector<32x21xf32> to vector<32x21x1xf32>
    %ge3A_404 = arith.constant 6.400000e+01 : f32
    %ge3A_405 = vector.broadcast %ge3A_404 : f32 to vector<32x21x1xf32>
    %ge3A_406 = arith.cmpf oge, %broadcast_in_dim3A_403, %ge3A_405 : vector<32x21x1xf32>
    %select_n3A_407 = arith.select %ge3A_406, %select_n3A_390, %or3A_393 : vector<32x21x1xi1>, vector<32x21x1xi32>
    %or3A_408 = arith.constant 128 : i32
    %or3A_409 = vector.broadcast %or3A_408 : i32 to vector<32x21x1xi32>
    %or3A_410 = arith.ori %select_n3A_407, %or3A_409 : vector<32x21x1xi32>
    %lt3A_411 = vector.broadcast %or3A_410 : vector<32x21x1xi32> to vector<32x21x1024xi32>
    %lt3A_412 = arith.cmpi slt, %bitcast_convert_type3A, %lt3A_411 : vector<32x21x1024xi32>
    %jit3A_413 = arith.constant 1.000000e+00 : f32
    %jit3A_414 = arith.constant 0.000000e+00 : f32
    %broadcast_in_dim3A_415 = vector.broadcast %jit3A_413 : f32 to vector<32x21x1024xf32>
    %broadcast_in_dim3A_416 = vector.broadcast %jit3A_414 : f32 to vector<32x21x1024xf32>
    %select_n3A_417 = arith.select %lt3A_412, %broadcast_in_dim3A_415, %broadcast_in_dim3A_416 : vector<32x21x1024xi1>, vector<32x21x1024xf32>
    %reduce_sum3A_418 = arith.constant dense<0.000000e+00> : vector<32x21xf32>
    %reduce_sum3A_419 = vector.multi_reduction <add>, %select_n3A_417, %reduce_sum3A_418 [2] : vector<32x21x1024xf32> to vector<32x21xf32>
    %broadcast_in_dim3A_420 = vector.shape_cast %reduce_sum3A_419 : vector<32x21xf32> to vector<32x21x1xf32>
    %ge3A_421 = arith.constant 6.400000e+01 : f32
    %ge3A_422 = vector.broadcast %ge3A_421 : f32 to vector<32x21x1xf32>
    %ge3A_423 = arith.cmpf oge, %broadcast_in_dim3A_420, %ge3A_422 : vector<32x21x1xf32>
    %select_n3A_424 = arith.select %ge3A_423, %select_n3A_407, %or3A_410 : vector<32x21x1xi1>, vector<32x21x1xi32>
    %or3A_425 = arith.constant 64 : i32
    %or3A_426 = vector.broadcast %or3A_425 : i32 to vector<32x21x1xi32>
    %or3A_427 = arith.ori %select_n3A_424, %or3A_426 : vector<32x21x1xi32>
    %lt3A_428 = vector.broadcast %or3A_427 : vector<32x21x1xi32> to vector<32x21x1024xi32>
    %lt3A_429 = arith.cmpi slt, %bitcast_convert_type3A, %lt3A_428 : vector<32x21x1024xi32>
    %jit3A_430 = arith.constant 1.000000e+00 : f32
    %jit3A_431 = arith.constant 0.000000e+00 : f32
    %broadcast_in_dim3A_432 = vector.broadcast %jit3A_430 : f32 to vector<32x21x1024xf32>
    %broadcast_in_dim3A_433 = vector.broadcast %jit3A_431 : f32 to vector<32x21x1024xf32>
    %select_n3A_434 = arith.select %lt3A_429, %broadcast_in_dim3A_432, %broadcast_in_dim3A_433 : vector<32x21x1024xi1>, vector<32x21x1024xf32>
    %reduce_sum3A_435 = arith.constant dense<0.000000e+00> : vector<32x21xf32>
    %reduce_sum3A_436 = vector.multi_reduction <add>, %select_n3A_434, %reduce_sum3A_435 [2] : vector<32x21x1024xf32> to vector<32x21xf32>
    %broadcast_in_dim3A_437 = vector.shape_cast %reduce_sum3A_436 : vector<32x21xf32> to vector<32x21x1xf32>
    %ge3A_438 = arith.constant 6.400000e+01 : f32
    %ge3A_439 = vector.broadcast %ge3A_438 : f32 to vector<32x21x1xf32>
    %ge3A_440 = arith.cmpf oge, %broadcast_in_dim3A_437, %ge3A_439 : vector<32x21x1xf32>
    %select_n3A_441 = arith.select %ge3A_440, %select_n3A_424, %or3A_427 : vector<32x21x1xi1>, vector<32x21x1xi32>
    %or3A_442 = arith.constant 32 : i32
    %or3A_443 = vector.broadcast %or3A_442 : i32 to vector<32x21x1xi32>
    %or3A_444 = arith.ori %select_n3A_441, %or3A_443 : vector<32x21x1xi32>
    %lt3A_445 = vector.broadcast %or3A_444 : vector<32x21x1xi32> to vector<32x21x1024xi32>
    %lt3A_446 = arith.cmpi slt, %bitcast_convert_type3A, %lt3A_445 : vector<32x21x1024xi32>
    %jit3A_447 = arith.constant 1.000000e+00 : f32
    %jit3A_448 = arith.constant 0.000000e+00 : f32
    %broadcast_in_dim3A_449 = vector.broadcast %jit3A_447 : f32 to vector<32x21x1024xf32>
    %broadcast_in_dim3A_450 = vector.broadcast %jit3A_448 : f32 to vector<32x21x1024xf32>
    %select_n3A_451 = arith.select %lt3A_446, %broadcast_in_dim3A_449, %broadcast_in_dim3A_450 : vector<32x21x1024xi1>, vector<32x21x1024xf32>
    %reduce_sum3A_452 = arith.constant dense<0.000000e+00> : vector<32x21xf32>
    %reduce_sum3A_453 = vector.multi_reduction <add>, %select_n3A_451, %reduce_sum3A_452 [2] : vector<32x21x1024xf32> to vector<32x21xf32>
    %broadcast_in_dim3A_454 = vector.shape_cast %reduce_sum3A_453 : vector<32x21xf32> to vector<32x21x1xf32>
    %ge3A_455 = arith.constant 6.400000e+01 : f32
    %ge3A_456 = vector.broadcast %ge3A_455 : f32 to vector<32x21x1xf32>
    %ge3A_457 = arith.cmpf oge, %broadcast_in_dim3A_454, %ge3A_456 : vector<32x21x1xf32>
    %select_n3A_458 = arith.select %ge3A_457, %select_n3A_441, %or3A_444 : vector<32x21x1xi1>, vector<32x21x1xi32>
    %or3A_459 = arith.constant 16 : i32
    %or3A_460 = vector.broadcast %or3A_459 : i32 to vector<32x21x1xi32>
    %or3A_461 = arith.ori %select_n3A_458, %or3A_460 : vector<32x21x1xi32>
    %lt3A_462 = vector.broadcast %or3A_461 : vector<32x21x1xi32> to vector<32x21x1024xi32>
    %lt3A_463 = arith.cmpi slt, %bitcast_convert_type3A, %lt3A_462 : vector<32x21x1024xi32>
    %jit3A_464 = arith.constant 1.000000e+00 : f32
    %jit3A_465 = arith.constant 0.000000e+00 : f32
    %broadcast_in_dim3A_466 = vector.broadcast %jit3A_464 : f32 to vector<32x21x1024xf32>
    %broadcast_in_dim3A_467 = vector.broadcast %jit3A_465 : f32 to vector<32x21x1024xf32>
    %select_n3A_468 = arith.select %lt3A_463, %broadcast_in_dim3A_466, %broadcast_in_dim3A_467 : vector<32x21x1024xi1>, vector<32x21x1024xf32>
    %reduce_sum3A_469 = arith.constant dense<0.000000e+00> : vector<32x21xf32>
    %reduce_sum3A_470 = vector.multi_reduction <add>, %select_n3A_468, %reduce_sum3A_469 [2] : vector<32x21x1024xf32> to vector<32x21xf32>
    %broadcast_in_dim3A_471 = vector.shape_cast %reduce_sum3A_470 : vector<32x21xf32> to vector<32x21x1xf32>
    %ge3A_472 = arith.constant 6.400000e+01 : f32
    %ge3A_473 = vector.broadcast %ge3A_472 : f32 to vector<32x21x1xf32>
    %ge3A_474 = arith.cmpf oge, %broadcast_in_dim3A_471, %ge3A_473 : vector<32x21x1xf32>
    %select_n3A_475 = arith.select %ge3A_474, %select_n3A_458, %or3A_461 : vector<32x21x1xi1>, vector<32x21x1xi32>
    %or3A_476 = arith.constant 8 : i32
    %or3A_477 = vector.broadcast %or3A_476 : i32 to vector<32x21x1xi32>
    %or3A_478 = arith.ori %select_n3A_475, %or3A_477 : vector<32x21x1xi32>
    %lt3A_479 = vector.broadcast %or3A_478 : vector<32x21x1xi32> to vector<32x21x1024xi32>
    %lt3A_480 = arith.cmpi slt, %bitcast_convert_type3A, %lt3A_479 : vector<32x21x1024xi32>
    %jit3A_481 = arith.constant 1.000000e+00 : f32
    %jit3A_482 = arith.constant 0.000000e+00 : f32
    %broadcast_in_dim3A_483 = vector.broadcast %jit3A_481 : f32 to vector<32x21x1024xf32>
    %broadcast_in_dim3A_484 = vector.broadcast %jit3A_482 : f32 to vector<32x21x1024xf32>
    %select_n3A_485 = arith.select %lt3A_480, %broadcast_in_dim3A_483, %broadcast_in_dim3A_484 : vector<32x21x1024xi1>, vector<32x21x1024xf32>
    %reduce_sum3A_486 = arith.constant dense<0.000000e+00> : vector<32x21xf32>
    %reduce_sum3A_487 = vector.multi_reduction <add>, %select_n3A_485, %reduce_sum3A_486 [2] : vector<32x21x1024xf32> to vector<32x21xf32>
    %broadcast_in_dim3A_488 = vector.shape_cast %reduce_sum3A_487 : vector<32x21xf32> to vector<32x21x1xf32>
    %ge3A_489 = arith.constant 6.400000e+01 : f32
    %ge3A_490 = vector.broadcast %ge3A_489 : f32 to vector<32x21x1xf32>
    %ge3A_491 = arith.cmpf oge, %broadcast_in_dim3A_488, %ge3A_490 : vector<32x21x1xf32>
    %select_n3A_492 = arith.select %ge3A_491, %select_n3A_475, %or3A_478 : vector<32x21x1xi1>, vector<32x21x1xi32>
    %or3A_493 = arith.constant 4 : i32
    %or3A_494 = vector.broadcast %or3A_493 : i32 to vector<32x21x1xi32>
    %or3A_495 = arith.ori %select_n3A_492, %or3A_494 : vector<32x21x1xi32>
    %lt3A_496 = vector.broadcast %or3A_495 : vector<32x21x1xi32> to vector<32x21x1024xi32>
    %lt3A_497 = arith.cmpi slt, %bitcast_convert_type3A, %lt3A_496 : vector<32x21x1024xi32>
    %jit3A_498 = arith.constant 1.000000e+00 : f32
    %jit3A_499 = arith.constant 0.000000e+00 : f32
    %broadcast_in_dim3A_500 = vector.broadcast %jit3A_498 : f32 to vector<32x21x1024xf32>
    %broadcast_in_dim3A_501 = vector.broadcast %jit3A_499 : f32 to vector<32x21x1024xf32>
    %select_n3A_502 = arith.select %lt3A_497, %broadcast_in_dim3A_500, %broadcast_in_dim3A_501 : vector<32x21x1024xi1>, vector<32x21x1024xf32>
    %reduce_sum3A_503 = arith.constant dense<0.000000e+00> : vector<32x21xf32>
    %reduce_sum3A_504 = vector.multi_reduction <add>, %select_n3A_502, %reduce_sum3A_503 [2] : vector<32x21x1024xf32> to vector<32x21xf32>
    %broadcast_in_dim3A_505 = vector.shape_cast %reduce_sum3A_504 : vector<32x21xf32> to vector<32x21x1xf32>
    %ge3A_506 = arith.constant 6.400000e+01 : f32
    %ge3A_507 = vector.broadcast %ge3A_506 : f32 to vector<32x21x1xf32>
    %ge3A_508 = arith.cmpf oge, %broadcast_in_dim3A_505, %ge3A_507 : vector<32x21x1xf32>
    %select_n3A_509 = arith.select %ge3A_508, %select_n3A_492, %or3A_495 : vector<32x21x1xi1>, vector<32x21x1xi32>
    %or3A_510 = arith.constant 2 : i32
    %or3A_511 = vector.broadcast %or3A_510 : i32 to vector<32x21x1xi32>
    %or3A_512 = arith.ori %select_n3A_509, %or3A_511 : vector<32x21x1xi32>
    %lt3A_513 = vector.broadcast %or3A_512 : vector<32x21x1xi32> to vector<32x21x1024xi32>
    %lt3A_514 = arith.cmpi slt, %bitcast_convert_type3A, %lt3A_513 : vector<32x21x1024xi32>
    %jit3A_515 = arith.constant 1.000000e+00 : f32
    %jit3A_516 = arith.constant 0.000000e+00 : f32
    %broadcast_in_dim3A_517 = vector.broadcast %jit3A_515 : f32 to vector<32x21x1024xf32>
    %broadcast_in_dim3A_518 = vector.broadcast %jit3A_516 : f32 to vector<32x21x1024xf32>
    %select_n3A_519 = arith.select %lt3A_514, %broadcast_in_dim3A_517, %broadcast_in_dim3A_518 : vector<32x21x1024xi1>, vector<32x21x1024xf32>
    %reduce_sum3A_520 = arith.constant dense<0.000000e+00> : vector<32x21xf32>
    %reduce_sum3A_521 = vector.multi_reduction <add>, %select_n3A_519, %reduce_sum3A_520 [2] : vector<32x21x1024xf32> to vector<32x21xf32>
    %broadcast_in_dim3A_522 = vector.shape_cast %reduce_sum3A_521 : vector<32x21xf32> to vector<32x21x1xf32>
    %ge3A_523 = arith.constant 6.400000e+01 : f32
    %ge3A_524 = vector.broadcast %ge3A_523 : f32 to vector<32x21x1xf32>
    %ge3A_525 = arith.cmpf oge, %broadcast_in_dim3A_522, %ge3A_524 : vector<32x21x1xf32>
    %select_n3A_526 = arith.select %ge3A_525, %select_n3A_509, %or3A_512 : vector<32x21x1xi1>, vector<32x21x1xi32>
    %or3A_527 = arith.constant 1 : i32
    %or3A_528 = vector.broadcast %or3A_527 : i32 to vector<32x21x1xi32>
    %or3A_529 = arith.ori %select_n3A_526, %or3A_528 : vector<32x21x1xi32>
    %lt3A_530 = vector.broadcast %or3A_529 : vector<32x21x1xi32> to vector<32x21x1024xi32>
    %lt3A_531 = arith.cmpi slt, %bitcast_convert_type3A, %lt3A_530 : vector<32x21x1024xi32>
    %jit3A_532 = arith.constant 1.000000e+00 : f32
    %jit3A_533 = arith.constant 0.000000e+00 : f32
    %broadcast_in_dim3A_534 = vector.broadcast %jit3A_532 : f32 to vector<32x21x1024xf32>
    %broadcast_in_dim3A_535 = vector.broadcast %jit3A_533 : f32 to vector<32x21x1024xf32>
    %select_n3A_536 = arith.select %lt3A_531, %broadcast_in_dim3A_534, %broadcast_in_dim3A_535 : vector<32x21x1024xi1>, vector<32x21x1024xf32>
    %reduce_sum3A_537 = arith.constant dense<0.000000e+00> : vector<32x21xf32>
    %reduce_sum3A_538 = vector.multi_reduction <add>, %select_n3A_536, %reduce_sum3A_537 [2] : vector<32x21x1024xf32> to vector<32x21xf32>
    %broadcast_in_dim3A_539 = vector.shape_cast %reduce_sum3A_538 : vector<32x21xf32> to vector<32x21x1xf32>
    %ge3A_540 = arith.constant 6.400000e+01 : f32
    %ge3A_541 = vector.broadcast %ge3A_540 : f32 to vector<32x21x1xf32>
    %ge3A_542 = arith.cmpf oge, %broadcast_in_dim3A_539, %ge3A_541 : vector<32x21x1xf32>
    %select_n3A_543 = arith.select %ge3A_542, %select_n3A_526, %or3A_529 : vector<32x21x1xi1>, vector<32x21x1xi32>
    %broadcast_in_dim3A_544 = vector.shape_cast %select_n3A_543 : vector<32x21x1xi32> to vector<32x21x1xi32>
    %broadcast_in_dim3A_545 = vector.broadcast %broadcast_in_dim3A_544 : vector<32x21x1xi32> to vector<32x21x1024xi32>
    %le3A = arith.cmpi sle, %bitcast_convert_type3A, %broadcast_in_dim3A_545 : vector<32x21x1024xi32>
    %jit3A_546 = arith.constant 1.000000e+00 : f32
    %jit3A_547 = arith.constant 0.000000e+00 : f32
    %broadcast_in_dim3A_548 = vector.broadcast %jit3A_546 : f32 to vector<32x21x1024xf32>
    %broadcast_in_dim3A_549 = vector.broadcast %jit3A_547 : f32 to vector<32x21x1024xf32>
    %select_n3A_550 = arith.select %le3A, %broadcast_in_dim3A_548, %broadcast_in_dim3A_549 : vector<32x21x1024xi1>, vector<32x21x1024xf32>
    %convert_element_type3A = arith.truncf %select_n3A_550 : vector<32x21x1024xf32> to vector<32x21x1024xbf16>
    %get3A_551 = arith.constant 0 : index
    %get3A_552 = arith.constant 0 : index
    %get3A_553 = vector.load %arg5[%get3A_551, %get3A_552] : memref<1024x3072xbf16, #tpu.memory_space<vmem>>, vector<1024x3072xbf16>
    %dot_general3A_554 = arith.constant dense<0.000000e+00> : vector<32x21x3072xf32>
    %dot_general3A_555 = tpu.matmul %convert_element_type3A, %get3A_553, %dot_general3A_554 {dimension_numbers = #tpu.dot_dimension_numbers<[2], [0], [0, 1], [1], [0, 0, 0, 1, 1, 1], [], []>, transpose_lhs_hint = false} : vector<32x21x1024xbf16>, vector<1024x3072xbf16>, vector<32x21x3072xf32> -> vector<32x21x3072xf32>
    %get3A_556 = arith.constant 0 : index
    %get3A_557 = arith.constant 0 : index
    %get3A_558 = vector.load %arg4[%get3A_556, %get3A_557] : memref<32x3072xf32, #tpu.memory_space<vmem>>, vector<32x3072xf32>
    %broadcast_in_dim3A_559 = vector.shape_cast %get3A_558 : vector<32x3072xf32> to vector<32x1x3072xf32>
    %mul3A_560 = vector.broadcast %broadcast_in_dim3A_559 : vector<32x1x3072xf32> to vector<32x21x3072xf32>
    %mul3A_561 = arith.mulf %dot_general3A_555, %mul3A_560 : vector<32x21x3072xf32>
    %swap3A = arith.constant 0 : index
    %swap3A_562 = arith.constant 0 : index
    %swap3A_563 = arith.constant 0 : index
    %swap3A_564 = vector.load %arg6[%swap3A, %swap3A_562, %swap3A_563] : memref<32x21x3072xf32, #tpu.memory_space<vmem>>, vector<32x21x3072xf32>
    tpu.vector_store %arg6[%swap3A, %swap3A_562, %swap3A_563], %mul3A_561 {strides = array<i32>} : memref<32x21x3072xf32, #tpu.memory_space<vmem>>, vector<32x21x3072xf32>,
    return
  }
  func.func @transform_0(%arg0: i32) -> (i32, i32, i32) {
    %c0_i32 = arith.constant 0 : i32
    %c0_i32_0 = arith.constant 0 : i32
    %c0_i32_1 = arith.constant 0 : i32
    return %arg0, %c0_i32, %c0_i32_0 : i32, i32, i32
  }
  func.func @transform_1(%arg0: i32) -> (i32, i32, i32) {
    %c0_i32 = arith.constant 0 : i32
    %c0_i32_0 = arith.constant 0 : i32
    %c0_i32_1 = arith.constant 0 : i32
    return %arg0, %c0_i32, %c0_i32_0 : i32, i32, i32
  }
  func.func @transform_2(%arg0: i32) -> (i32, i32) {
    %c0_i32 = arith.constant 0 : i32
    %c0_i32_0 = arith.constant 0 : i32
    return %arg0, %c0_i32 : i32, i32
  }
  func.func @transform_3(%arg0: i32) -> (i32, i32) {
    %c0_i32 = arith.constant 0 : i32
    %c0_i32_0 = arith.constant 0 : i32
    return %arg0, %c0_i32 : i32, i32
  }
  func.func @transform_4(%arg0: i32) -> (i32, i32) {
    %c0_i32 = arith.constant 0 : i32
    %c0_i32_0 = arith.constant 0 : i32
    %c0_i32_1 = arith.constant 0 : i32
    return %c0_i32, %c0_i32_0 : i32, i32
  }
  func.func @transform_5(%arg0: i32) -> (i32, i32, i32) {
    %c0_i32 = arith.constant 0 : i32
    %c0_i32_0 = arith.constant 0 : i32
    %c0_i32_1 = arith.constant 0 : i32
    return %arg0, %c0_i32, %c0_i32_0 : i32, i32, i32
  }
}

</mosaic_0001>

<sc_bundles>
// kernel: sparse-core-data-format-call.cloned.1.call-start
scs
called_computation_lowered:
.L_overlay_start_0:
0x0: {  	s2 =	sld [smem:$0x3FD9]  }
0x1: {  	s3 =	sld [smem:$0x3FFE];
	_ =	sdelay $0x1  }
0x2: {  	s1 =	srdreg.scid  }
0x3: {  	s0 =	sand.u32 $0x1, s1  }
0x4: {  	s18 =	sshll.u32 s0, $0xA;
	s2 =	sadd.s32 s3, s2  }
0x5: {  	s2 =	sadd.s32 s2, s18  }
0x6: {  	[smem:$0x3FC6] =	sst s2  }
0x7: {  	_ = 	snop  }
0x8: {  	s2 =	sld [smem:$0x3FD0];
	(tm) =	ssettm $0x1  }
0x9: {  	s19 =	sld [smem:$0x3FFB];
	_ =	sdelay $0x3  }
0xa: {  	_ =	strace s19  }
0xb: {  	s3 =	sld [smem:$0x3FFC];
	_ =	sdelay $0x3  }
0xc: {  	_ =	strace s3  }
0xd: {  	s3 =	sld [smem:$0x3FFD];
	_ =	sdelay $0x3  }
0xe: {  	_ =	strace s3  }
0xf: {  	_ =	strace $0x8FFFFFFF  }
0x10: {  	s20 =	sld [smem:$0x3FDB];
	_ =	sdelay $0x1  }
0x11: {  	s4 =	simm.s32 $_scs_section_size  }
0x12: {  	s5 =	simm.s32 $_size__tile_overlayer_lowered;
	s6 =	simm.s32 $_tile_overlayer_lowered  }
0x13: {  	s23 =	simm.s32 $0x1BFF;
	s22 =	sshll.u32 s6, $0x1;
	s3 =	sadd.s32 s4, s20  }
0x14: {  	s7 =	simm.s32 $0x0;
	s21 =	sshll.u32 s5, $0x1;
	s5 =	sadd.s32 s22, s3  }
0x15: {  	[timem:s7], [sflag:s23] =	dma.local [hbm:s5], s21  }
0x16: {  	_ =	swait.ge [sflag:s23], s21  }
0x17: {  	s4 =	ssub.s32 $0x0, s21;
	[sflag:s23] =	ssyncset.done $0x0  }
0x18: {  	[sflag:s23] =	ssyncadd.s32 s4;
	_ =	sdelay $0x1  }
0x19: {  	s24 =	simm.s32 $0x1B8B  }
0x1a: {  	_ =	swait.ge [sflag:s24], $0x1  }
0x1b: {  	[sflag:s24] =	ssyncset.done $0x0  }
0x1c: {  	s26 =	simm.s32 $0x1B8E;
	s25 =	sld [smem:$0x3FFE];
	[sflag:s24] =	ssyncadd.s32 $0xFFFFFFFF  }
0x1d: {  	s27 =	simm.s32 $execute0_lowered;
	[smem:$0x3FD2] =	sst s26  }
0x1e: {  	s5 =	sshll.u32 s27, $0x1;
	_ =	strace $0x80000046;
	[dreg:$0x1] =	wrdreg $0xFFFFFFFF  }
0x1f: {  	s28 =	simm.s32 $_size_execute0_lowered;
	s3 =	sadd.s32 s3, s5;
	[dreg:$0x0] =	wrdreg $0x0  }
0x20: {  	s5 =	sshll.u32 s28, $0x1;
	[dreg:$0x2] =	wrdreg s3  }
0x21: {  	[dreg:$0x3] =	wrdreg s5  }
0x22: {  	[dreg:$0x4] =	wrdreg $0xC0  }
0x23: {  	_ =	task [dreg:s7], $0x5FFFF  }
0x24: {  	[dreg:$0x1] =	wrdreg $0xFFFFFFFF  }
0x25: {  	[dreg:$0x0] =	wrdreg $0x60  }
0x26: {  	[dreg:$0x2] =	wrdreg s25  }
0x27: {  	[dreg:$0x3] =	wrdreg s2  }
0x28: {  	[dreg:$0x4] =	wrdreg $0x9  }
0x29: {  	_ =	task.clear_ibuf [dreg:s7], $0x5FFFF;
	_ =	strace $0x90000046  }
0x2a: {  	s29 =	simm.s32 $0x9;
	_ =	strace $0x80000048  }
0x2b: {  	_ =	swait.ge [sflag:s29], $0x1  }
0x2c: {  	[sflag:s29] =	ssyncadd.s32 $0xFFFFFFFF  }
0x2d: {  	_ =	strace $0x90000048  }
0x2e: {  	_ =	sfence  }
0x2f: {  	s30 =	sld [smem:$0x0];
	_ =	sdelay $0x2  }
0x30: {  	s31 =	sshll.u32 s1, $0xD;
	s1 =	sshrl.u32 s1, $0x2  }
0x31: {  	s3 =	sand.u32 $0x4000, s31;
	s1 =	sadd.s32 s1, s30  }
0x32: {  	s0 =	sor.u32 s3, s0;
	s1 =	sshll.u32 s1, $0x11  }
0x33: {  	s0 =	sor.u32 s1, s0  }
0x34: {  	s0 =	sadd.s32 $0x8F2B, s0  }
0x35: {  	[sflag:s0] =	ssyncadd.remote.s32 $0x1  }
0x36: {  	_ =	sfence.sel $0xFFFF  }
0x37: {  	[dreg:$0x0] =	wrdreg $0xFFFFFFFF;
	(pc) =	sbr.abs _section_cstart, $3  }
0x38: {  	[dreg:$0x1] =	wrdreg $0xFFFFFFFF  }
0x39: {  	_ =	task.clear_ibuf [dreg:s7], $0x2FFFF;
	_ =	strace $0x9FFFFFFF  }
0x3a: {  	(tm) =	ssettm $0x7FFFFFFF  }
0x3b: {  	_ =	shalt  }
tec
execute0_lowered:
.L_overlay_start_1:
0x0: {  	(tag) =	ssettag $0x1  }
0x1: {  	s0 =	srdreg.scid  }
0x2: {  	s5 =	rddreg [dreg:$0x0];
	s1 =	sshll.u32 s0, $0x4  }
0x3: {  	s7 =	simm.s32 $0x1;
	s0 =	stileid.u32;
	s1 =	sand.u32 $0x10, s1  }
0x4: {  	s9 =	simm.s32 $0x1;
	s29 =	sshll.u32 s0, $0x7;
	s8 =	sor.u32 s0, s1  }
0x5: {  	s31 =	simm.s32 $0x2;
	s1 =	sand.u32 $0x380, s29;
	s2 =	sshll.u32 s8, $0x4  }
0x6: {  	s18 =	simm.s32 $0x0;
	s3 =	ssub.s32 $0x400, s1;
	s2 =	sand.u32 $0x180, s2  }
0x7: {  	s10 =	simm.s32 $0x2000;
	s4 =	sand.u32 $0x380, s3;
	s6 =	ssub.s32 $0x200, s2  }
0x8: {  	s16 =	simm.s32 $0x0;
	p0 =	sne.s32 s4, $0x0;
	s30 =	sand.u32 $0x180, s6  }
0x9: {  	s17 =	simm.s32 $0x0;
	s7 =	simm.s32 @!p0 $0x0;
	p0 =	sne.s32 s30, $0x0  }
0xa: {  	s3 =	sshrl.u32 s3, $0xA;
	s6 =	sshrl.u32 s6, $0x9;
	s9 =	simm.s32 @!p0 $0x0  }
0xb: {  	s15 =	simm.s32 $0x0;
	s7 =	sadd.s32 s7, s3;
	s6 =	sadd.s32 s9, s6  }
0xc: {  	s11 =	simm.s32 $0x0;
	s12 =	simm.s32 $0x0;
	s7 =	smul.u32 s6, s7  }
.Ltmp0:
0xd: {  	s14 =	simm.s32 $0x0;
	s4 =	rddreg [dreg:$0x1];
	(pc) =	sbr.rel .LBB1_1-.Ltmp0, $4  }
0xe: {  	s5 =	sadd.s32 $0x480C00, s5;
	s8 =	sshll.u32 s8, $0x7;
	s3 =	rddreg [dreg:$0x2]  }
0xf: {  	_ =	strace $0x80000047;
	s6 =	simm.s32 $0x1;
	s7 =	smul.u32 $0x3F, s7  }
0x10: {  	s13 =	smov.u32 s1;
	s8 =	sand.u32 $0xC00, s8;
	[sflag:s6] =	ssyncpa.u1 $0x0  }
0x11: {  	p0 =	por $0x0, $0x0;
	[sflag:s31] =	ssyncpa.u1 $0x0;
	s9 =	sadd.s32 $0x1, s7  }
.LBB1_4:
0x12: {  	v5 =	vld [tilespmem:s22+$0xFFFFFFD0];
	[tilespmem:s21+$0x2040 ss:$0x81] =	vst.msk $0xffff, v1  }
0x13: {  	v58 =	vld [tilespmem:s22+$0xFFFFFFE0];
	[tilespmem:s21+$0x2850 ss:$0x81] =	vst.msk $0xffff, v2  }
0x14: {  	s23 =	sshra.s32 s23, $0x2;
	v59 =	vld [tilespmem:s22+$0xFFFFFFF0];
	[tilespmem:s21+$0x3060 ss:$0x81] =	vst.msk $0xffff, v3  }
0x15: {  	v60 =	vld [tilespmem:s22+$0x0];
	[tilespmem:s21+$0x0 ss:$0x81] =	vst.msk $0xffff, v0;
	s20 =	sadd.s32 s23, s20  }
0x16: {  	v61 =	vld [tilespmem:s22+$0x10];
	[tilespmem:s20+$0x3870 ss:$0x81] =	vst.msk $0xffff, v4  }
0x17: {  	v62 =	vld [tilespmem:s22+$0x20];
	[tilespmem:s20+$0x810 ss:$0x81] =	vst.msk $0xffff, v5  }
0x18: {  	v63 =	vld [tilespmem:s22+$0xFFFFFFC0];
	s18 =	sshll.u32 s18, $0x7;
	[tilespmem:s20+$0x1020 ss:$0x81] =	vst.msk $0xffff, v58  }
0x19: {  	s29 =	sand.u32 $0xFF80, s15;
	s17 =	sshll.u32 s17, $0x10;
	s30 =	sshrl.u32 s15, $0x3;
	[tilespmem:s20+$0x1830 ss:$0x81] =	vst.msk $0xffff, v59  }
0x1a: {  	s16 =	smul.u32 $0x30000, s16;
	s22 =	sand.u32 $0xF, s30;
	s17 =	sadd.s32 s4, s17;
	[tilespmem:s20+$0x2040 ss:$0x81] =	vst.msk $0xffff, v60  }
0x1b: {  	s31 =	sand.u32 $0x7, s15;
	s18 =	sadd.s32 s29, s18;
	s17 =	sadd.s32 s22, s17;
	[tilespmem:s20+$0x2850 ss:$0x81] =	vst.msk $0xffff, v61  }
0x1c: {  	s15 =	sshll.u32 s31, $0x12;
	s18 =	sand.u32 $0xFF80, s18;
	s16 =	sadd.s32 s16, s17;
	[tilespmem:s20+$0x3060 ss:$0x81] =	vst.msk $0xffff, v62  }
0x1d: {  	s15 =	sor.u32 $0x400, s15;
	s16 =	sadd.s32 s18, s16;
	[tilespmem:s20+$0x0 ss:$0x81] =	vst.msk $0xffff, v63  }
0x1e: {  	[hbm4b:s16+s15] =	stream.strided.scatter [tilespmem:s19], [sflag:$0x2], $0x4000, s10, s15, $0x20;
	[tilespmem:$0x10100] =	vst v63  }
.LBB1_5:
0x1f: {  	s19 =	sadd.s32 $0x1, s11  }
0x20: {  	s15 =	simm.s32 $0x1;
	p2 =	sgt.s32 s19, $0x14  }
0x21: {  	s15 =	simm.s32 @!p2 $0x0  }
0x22: {  	s20 =	sadd.s32 s15, s12  }
0x23: {  	s21 =	smov.u32 s13;
	s15 =	sadd.s32 $0x400, s13;
	p3 =	sgt.s32 s20, $0x2  }
0x24: {  	s21 =	smov.u32 @p3 s15  }
0x25: {  	p1 =	slt.u32 s14, $0x2;
	s19 =	simm.s32 @p2 $0x0;
	p2 =	sgt.s32 s21, $0x3FF  }
0x26: {  	s18 =	simm.s32 @!p1 $0x2;
	s21 =	smov.u32 @p2 s1;
	p2 =	sne.s32 s14, s9  }
.Ltmp1:
0x27: {  	_ =	swait.ge @!p1 [sflag:s18], $0x4000;
	(pc) =	sbr.rel @!p2 .LBB1_6-.Ltmp1, $4  }
0x28: {  	s16 =	smov.u32 s11;
	s17 =	smov.u32 s12;
	[sflag:s18] =	ssyncset.done @!p1 $0x0  }
0x29: {  	p0 =	por !p0, !p0;
	s11 =	smov.u32 s19;
	[sflag:s18] =	ssyncadd.s32 @!p1 $0xFFFFC000  }
0x2a: {  	s18 =	smov.u32 s2;
	s20 =	simm.s32 @p3 $0x0;
	s15 =	smov.u32 s13  }
0x2b: {  	s12 =	smov.u32 s20;
	s14 =	sadd.s32 $0x1, s14;
	s13 =	smov.u32 s21  }
.LBB1_1:
0x2c: {  	p1 =	sge.u32 s14, s7  }
0x2d: {  	s19 =	sshll.u32 @!p1 s11, $0x9  }
0x2e: {  	s20 =	sshll.u32 @!p1 s11, $0x7;
	s19 =	sand.u32 @!p1 $0xFFFFF000, s19  }
0x2f: {  	s20 =	sand.u32 @!p1 $0x200, s20;
	s19 =	sor.u32 @!p1 s8, s19  }
0x30: {  	s19 =	sor.u32 @!p1 s20, s19  }
0x31: {  	s19 =	sshrl.u32 @!p1 s19, $0x9  }
0x32: {  	s20 =	smulhi.u32 @!p1 $0xAAAAAAB, s19  }
0x33: {  	s21 =	smul.u32 @!p1 $0x1200, s13  }
0x34: {  	s20 =	smul.u32 @!p1 $0x18, s20  }
0x35: {  	s31 =	sadd.s32 $0xFFFFFFFF, s14;
	s22 =	sxor.u32 @!p1 $0xFFFFFFFF, s14;
	s23 =	smul.u32 @!p1 $0x600, s12  }
0x36: {  	s21 =	sadd.s32 @!p1 s5, s21;
	s19 =	ssub.s32 @!p1 s19, s20;
	s20 =	sshll.u32 @!p1 s11, $0x4  }
0x37: {  	s22 =	sshll.u32 @!p1 s22, $0xE;
	s21 =	sadd.s32 @!p1 s23, s21;
	s20 =	sand.u32 @!p1 $0x30, s20  }
0x38: {  	s22 =	sand.u32 @!p1 $0x4000, s22;
	s19 =	sshll.u32 @!p1 s19, $0x6;
	s20 =	sadd.s32 @!p1 s20, s21  }
0x39: {  	s21 =	simm.s32 @!p1 $0x9000;
	s19 =	sadd.s32 @!p1 s19, s20;
	s20 =	simm.s32 @!p1 $0x80  }
0x3a: {  	[tilespmem:s22], [sflag:$0x1] =	stream.strided.gather @!p1 [hbm4b:s19+s20], $0x4000, s21, s20, $0x38;
	[tilespmem:$0x10100] =	vst v63  }
0x3b: {  	p1 =	sge.u32 s31, s7  }
.Ltmp2:
0x3c: {  	_ = 	snop;
	(pc) =	sbr.rel @p1 .LBB1_5-.Ltmp2, $1  }
0x3d: {  	_ =	sdelay $0x3  }
0x3e: {  	s19 =	simm.s32 $0x1  }
0x3f: {  	_ =	swait.ge [sflag:s6], $0x4000;
	s19 =	simm.s32 @!p0 $0x0  }
0x40: {  	[sflag:s6] =	ssyncset.done $0x0;
	s20 =	sshll.u32 s19, $0xE  }
0x41: {  	[sflag:s6] =	ssyncadd.s32 $0xFFFFC000;
	s22 =	sor.u32 $0x40, s20  }
0x42: {  	s19 =	smul.u32 $0x10200, s19;
	v0 =	vld [tilespmem:s22+$0x30]  }
0x43: {  	v3 =	vld [tilespmem:s22+$0xFFFFFFD0]  }
0x44: {  	s19 =	sshrl.u32 s19, $0x2;
	v4 =	vld [tilespmem:s22+$0xFFFFFFE0]  }
0x45: {  	v5 =	vld [tilespmem:s22+$0xFFFFFFF0];
	s20 =	sor.u32 $0x8000, s19  }
0x46: {  	s31 =	sand.u32 $0x1, s14;
	v1 =	vld [tilespmem:s22+$0x0];
	s21 =	sadd.s32 $0x0, s20  }
0x47: {  	v2 =	vld [tilespmem:s22+$0x10];
	s19 =	smul.u32 $0x10200, s31;
	[tilespmem:s21+$0x3870 ss:$0x81] =	vst.msk $0xffff, v0  }
0x48: {  	[tilespmem:s21+$0x810 ss:$0x81] =	vst.msk $0xffff, v3;
	v3 =	vld [tilespmem:s22+$0x20]  }
0x49: {  	s19 =	sshrl.u32 s19, $0x2;
	v0 =	vld [tilespmem:s22+$0xFFFFFFC0];
	[tilespmem:s21+$0x1020 ss:$0x81] =	vst.msk $0xffff, v4;
	s22 =	sadd.s32 $0x80, s22  }
0x4a: {  	s23 =	simm.s32 $0x4;
	s24 =	simm.s32 $0x8;
	s19 =	sor.u32 $0x8000, s19;
	[tilespmem:s21+$0x1830 ss:$0x81] =	vst.msk $0xffff, v5;
	v4 =	vld [tilespmem:s22+$0x30]  }
.LBB1_3:
0x4b: {  	p1 =	sne.s32 s24, $0x1FC;
	v5 =	vld [tilespmem:s22+$0xFFFFFFD0];
	[tilespmem:s21+$0x2040 ss:$0x81] =	vst.msk $0xffff, v1  }
0x4c: {  	v6 =	vld [tilespmem:s22+$0xFFFFFFE0];
	[tilespmem:s21+$0x2850 ss:$0x81] =	vst.msk $0xffff, v2  }
0x4d: {  	s25 =	sshra.s32 s23, $0x2;
	s23 =	smov.u32 s24;
	v7 =	vld [tilespmem:s22+$0xFFFFFFF0];
	[tilespmem:s21+$0x3060 ss:$0x81] =	vst.msk $0xffff, v3  }
.Ltmp3:
0x4e: {  	v1 =	vld [tilespmem:s22+$0x0];
	[tilespmem:s21+$0x0 ss:$0x81] =	vst.msk $0xffff, v0;
	s21 =	sadd.s32 s25, s20;
	(pc) =	sbr.rel @p1 .LBB1_3-.Ltmp3, $4  }
0x4f: {  	v2 =	vld [tilespmem:s22+$0x10];
	[tilespmem:s21+$0x3870 ss:$0x81] =	vst.msk $0xffff, v4  }
0x50: {  	[tilespmem:s21+$0x810 ss:$0x81] =	vst.msk $0xffff, v5;
	v3 =	vld [tilespmem:s22+$0x20]  }
0x51: {  	v0 =	vld [tilespmem:s22+$0xFFFFFFC0];
	[tilespmem:s21+$0x1020 ss:$0x81] =	vst.msk $0xffff, v6;
	s22 =	sadd.s32 $0x80, s22  }
0x52: {  	s24 =	sadd.s32 $0x4, s24;
	v4 =	vld [tilespmem:s22+$0x30];
	[tilespmem:s21+$0x1830 ss:$0x81] =	vst.msk $0xffff, v7  }
.Ltmp4:
0x53: {  	_ = 	snop;
	(pc) =	sbr.rel .LBB1_4-.Ltmp4, $1  }
0x54: {  	_ =	sdelay $0x3  }
.LBB1_6:
0x55: {  	_ =	sfence.sel $0x180000  }
0x56: {  	s1 =	simm.s32 $0x1;
	[bflag:$0x0] =	sbarrier.arrive $0xFFFF  }
0x57: {  	s31 =	simm.s32 $0x2;
	[sflag:s1] =	ssyncpa.u1 $0x1  }
0x58: {  	[sflag:s31] =	ssyncpa.u1 $0x1  }
0x59: {  	p0 =	sne.s32 s0, $0x0;
	_ =	strace $0x90000047  }
0x5a: {  	s0 =	sadd.s32 @!p0 $0x100000, s3;
	[bflag:$0x2] =	sbarrier.arrive $0xFFFF  }
0x5b: {  	[sflag:s0] =	ssyncadd.tile.s32 @!p0 $0x1;
	_ =	shalt  }
.Lfunc_end1:
_tile_overlayer_lowered:
.L_overlay_start_2:
0x5c: {  	(tag) =	ssettag $0x2  }
0x5d: {  	s0 =	rddreg [dreg:$0x0];
	s2 =	stileid.u32  }
0x5e: {  	s1 =	rddreg [dreg:$0x1];
	p0 =	sne.s32 s2, $0x0  }
0x5f: {  	s3 =	rddreg [dreg:$0x2];
	[bflag:$0x3] =	sbarrier.arrive $0xFFFF;
	s2 =	simm.s32 @!p0 $0x1C01  }
0x60: {  	[timem:s3], [sflag:s2] =	dma.local @!p0 [hbm:s0], s1  }
0x61: {  	s0 =	simm.s32 @!p0 $0x1  }
0x62: {  	_ =	swait.ge @!p0 [sflag:s0], s1  }
0x63: {  	s1 =	ssub.s32 @!p0 $0x0, s1;
	[sflag:s0] =	ssyncset.done @!p0 $0x0  }
0x64: {  	[sflag:s0] =	ssyncadd.s32 @!p0 s1  }
0x65: {  	[bflag:$0x3] =	sbarrier.arrive $0xFFFF  }
0x66: {  	_ =	shalt  }

</sc_bundles>
